<compile_context>
chip_gen: v7x
topology: tpu7x:2x2x1
jax: 0.10.2.dev20260603
libtpu: 0.0.44.dev20260713+nightly
codegen_flags: <defaults>
</compile_context>

<pallas_src>
import functools

import jax
import jax.numpy as jnp
from jax import lax
from jax.experimental import pallas as pl
from jax.experimental.pallas import tpu as pltpu
from jax.experimental.pallas import tpu_sc as plsc

_NC = 2
_NS = 16
_NW = _NC * _NS
_L = 16


@functools.partial(jax.jit, static_argnames=("n_total", "dim", "chunk"))
def _sc_lookup(idx_flat, params, *, n_total, dim, chunk):
  n_per_w = n_total // _NW
  n_chunks = n_per_w // chunk
  p_rows = params.shape[0]

  mesh = plsc.VectorSubcoreMesh(core_axis_name="c", subcore_axis_name="s")

  @functools.partial(
      pl.kernel,
      mesh=mesh,
      out_type=jax.ShapeDtypeStruct((n_total,), jnp.float32),
      scratch_types=[
          pltpu.VMEM((p_rows, _L), jnp.float32),
          pltpu.VMEM((2, chunk), jnp.int32),
          pltpu.VMEM((2, chunk), jnp.float32),
          pltpu.SemaphoreType.DMA,
          pltpu.SemaphoreType.DMA,
          pltpu.SemaphoreType.DMA,
          pltpu.SemaphoreType.DMA,
      ],
  )
  def k(idx_hbm, params_hbm, out_hbm, params_v, idx_v, out_v,
        is0, is1, os0, os1):
    wid = lax.axis_index("s") * _NC + lax.axis_index("c")
    base = wid * n_per_w
    in_sems = (is0, is1)
    out_sems = (os0, os1)

    pltpu.sync_copy(params_hbm, params_v)
    acc = jnp.zeros((_L,), jnp.float32)
    for d in range(dim):
      acc = acc + params_v[d] * params_v[dim + d]
    s = 1.0 / (1.0 + jnp.exp(-(acc + params_v[2 * dim])))

    dnums = lax.GatherDimensionNumbers(
        offset_dims=(), collapsed_slice_dims=(0,), start_index_map=(0,))

    in_desc = [None, None]
    out_desc = [None, None]
    in_desc[0] = pltpu.async_copy(
        idx_hbm.at[pl.ds(base, chunk)], idx_v.at[0], in_sems[0])
    for c in range(n_chunks):
      cur = c % 2
      nxt = 1 - cur
      if c + 1 < n_chunks:
        in_desc[nxt] = pltpu.async_copy(
            idx_hbm.at[pl.ds(base + (c + 1) * chunk, chunk)],
            idx_v.at[nxt], in_sems[nxt])
      in_desc[cur].wait()
      if c >= 2:
        out_desc[cur].wait()
      src = idx_v.at[cur]
      dst = out_v.at[cur]

      @functools.partial(plsc.parallel_loop, 0, chunk // _L, unroll=16)
      def body(i):
        o = i * _L
        iv = src[pl.ds(o, _L)]
        dst[pl.ds(o, _L)] = lax.gather(
            s, iv[:, None], dnums, (1,),
            mode=lax.GatherScatterMode.PROMISE_IN_BOUNDS)

      out_desc[cur] = pltpu.async_copy(
          dst, out_hbm.at[pl.ds(base + c * chunk, chunk)], out_sems[cur])
    for d in range(min(2, n_chunks)):
      out_desc[(n_chunks - 1 - d) % 2].wait()

  return k(idx_flat, params)


def kernel(indices, table, W, b):
  n_vocab, dim = table.shape
  out_shape = indices.shape + (1,)
  n_total = indices.size

  idx_flat = indices.reshape(-1).astype(jnp.int32)
  tcols = jnp.zeros((dim, _L), jnp.float32).at[:, :n_vocab].set(
      table.astype(jnp.float32).T)
  wrows = jnp.broadcast_to(W.astype(jnp.float32).reshape(dim, 1), (dim, _L))
  brow = jnp.broadcast_to(b.astype(jnp.float32).reshape(1, 1), (1, _L))
  params = jnp.concatenate([tcols, wrows, brow], axis=0)

  assert n_total % _NW == 0
  n_per_w = n_total // _NW
  chunk = n_per_w
  while chunk * 16 > 420000:
    chunk //= 2
  assert n_per_w % chunk == 0 and chunk % _L == 0

  out_flat = _sc_lookup(idx_flat, params, n_total=n_total, dim=dim, chunk=chunk)
  return out_flat.reshape(out_shape)

# --- scband reference (transcript-rebuilt; emitter-appended) ---
"""Pipeline reference for scband-my-model-61933428415255 (READ-ONLY COPY).

The authoritative reference and input builder live on the scoring server;
editing this copy changes nothing except your own understanding.
"""

import jax, jax.numpy as jnp
import numpy as np

N_VOCAB = 8
DIM = 10

def setup_inputs(seed: int = 0) -> dict:
    key = jax.random.key(seed)
    k1, k2, k3, k4 = jax.random.split(key, 4)
    indices = jax.random.randint(k1, (16384, 200), 0, N_VOCAB, dtype=jnp.int64)
    table = jax.random.normal(k2, (N_VOCAB, DIM), dtype=jnp.float32)
    # nn.Linear(dim, 1): weight [1, dim], bias [1]
    bound = 1.0 / np.sqrt(DIM)
    W = jax.random.uniform(k3, (1, DIM), minval=-bound, maxval=bound, dtype=jnp.float32)
    b = jax.random.uniform(k4, (1,), minval=-bound, maxval=bound, dtype=jnp.float32)
    return {"indices": indices, "table": table, "W": W, "b": b}

def reference(indices, table, W, b):
    emb = jnp.take(table, indices, axis=0)          # [B, L, dim]
    lin = jnp.matmul(emb, W.T) + b                  # [B, L, 1]
    return jax.nn.sigmoid(lin)

if __name__ == "__main__":
    import jax
    _d = setup_inputs()
    print(jax.jit(kernel)(*tuple(_d.values())))

</pallas_src>

<mosaic_0001>
#map = affine_map<(d0, d1) -> (0)>
#map1 = affine_map<(d0, d1) -> (0, 0)>
module attributes {stable_mosaic.version = 14 : i64} {
  func.func @k(%arg0: i32, %arg1: i32, %arg2: memref<3276800xi32, #tpu.memory_space<hbm>>, %arg3: memref<21x16xf32, #tpu.memory_space<hbm>>, %arg4: memref<3276800xf32, #tpu.memory_space<hbm>>, %arg5: memref<21x16xf32, #tpu.memory_space<vmem>>, %arg6: memref<2x25600xi32, #tpu.memory_space<vmem>>, %arg7: memref<2x25600xf32, #tpu.memory_space<vmem>>, %arg8: memref<!tpu.dma_semaphore, #tpu.memory_space<semaphore_mem>>, %arg9: memref<!tpu.dma_semaphore, #tpu.memory_space<semaphore_mem>>, %arg10: memref<!tpu.dma_semaphore, #tpu.memory_space<semaphore_mem>>, %arg11: memref<!tpu.dma_semaphore, #tpu.memory_space<semaphore_mem>>) attributes {dimension_semantics = [#tpu.dimension_semantics<core_parallel>, #tpu.dimension_semantics<subcore_parallel>], iteration_bounds = array<i64: 2, 16>, scalar_prefetch = 0 : i64, scratch_operands = 7 : i64, tpu.core_type = #tpu.core_type<sc_vector_subcore>, window_params = [{transform_indices = #map}, {transform_indices = #map1}, {transform_indices = #map}]} {
    %mul3A = arith.constant 2 : i32
    %mul3A_0 = arith.muli %arg1, %mul3A : i32
    %add3A = arith.addi %mul3A_0, %arg0 : i32
    %mul3A_1 = arith.constant 102400 : i32
    %mul3A_2 = arith.muli %add3A, %mul3A_1 : i32
    "tpu.region"() ({
      %run_scoped3A = tpu.sem_alloc : memref<!tpu.dma_semaphore, #tpu.memory_space<semaphore_mem>>
      tpu.enqueue_dma source(%arg3 : memref<21x16xf32, #tpu.memory_space<hbm>>) target(%arg5 : memref<21x16xf32, #tpu.memory_space<vmem>>) target_semaphore(%run_scoped3A : memref<!tpu.dma_semaphore, #tpu.memory_space<semaphore_mem>>)
      tpu.wait_dma2 semaphore(%run_scoped3A : memref<!tpu.dma_semaphore, #tpu.memory_space<semaphore_mem>>) src(%arg3 : memref<21x16xf32, #tpu.memory_space<hbm>>) dst(%arg5 : memref<21x16xf32, #tpu.memory_space<vmem>>)
      tpu.yield
    }) : () -> ()
    %broadcast_in_dim3A = arith.constant 0.000000e+00 : f32
    %broadcast_in_dim3A_3 = vector.broadcast %broadcast_in_dim3A : f32 to vector<16xf32>
    %get3A = arith.constant 0 : i32
    %get3A_4 = arith.index_cast %get3A : i32 to index
    %get3A_5 = arith.constant 0 : index
    %get3A_6 = tpu.vector_load %arg5[%get3A_4, %get3A_5] {strides = array<i32>} : memref<21x16xf32, #tpu.memory_space<vmem>>, vector<1x16xf32>,
    %get3A_7 = vector.shape_cast %get3A_6 : vector<1x16xf32> to vector<16xf32>
    %get3A_8 = arith.constant 10 : i32
    %get3A_9 = arith.index_cast %get3A_8 : i32 to index
    %get3A_10 = arith.constant 0 : index
    %get3A_11 = tpu.vector_load %arg5[%get3A_9, %get3A_10] {strides = array<i32>} : memref<21x16xf32, #tpu.memory_space<vmem>>, vector<1x16xf32>,
    %get3A_12 = vector.shape_cast %get3A_11 : vector<1x16xf32> to vector<16xf32>
    %mul3A_13 = arith.mulf %get3A_7, %get3A_12 : vector<16xf32>
    %add3A_14 = arith.addf %broadcast_in_dim3A_3, %mul3A_13 : vector<16xf32>
    %get3A_15 = arith.constant 1 : i32
    %get3A_16 = arith.index_cast %get3A_15 : i32 to index
    %get3A_17 = arith.constant 0 : index
    %get3A_18 = tpu.vector_load %arg5[%get3A_16, %get3A_17] {strides = array<i32>} : memref<21x16xf32, #tpu.memory_space<vmem>>, vector<1x16xf32>,
    %get3A_19 = vector.shape_cast %get3A_18 : vector<1x16xf32> to vector<16xf32>
    %get3A_20 = arith.constant 11 : i32
    %get3A_21 = arith.index_cast %get3A_20 : i32 to index
    %get3A_22 = arith.constant 0 : index
    %get3A_23 = tpu.vector_load %arg5[%get3A_21, %get3A_22] {strides = array<i32>} : memref<21x16xf32, #tpu.memory_space<vmem>>, vector<1x16xf32>,
    %get3A_24 = vector.shape_cast %get3A_23 : vector<1x16xf32> to vector<16xf32>
    %mul3A_25 = arith.mulf %get3A_19, %get3A_24 : vector<16xf32>
    %add3A_26 = arith.addf %add3A_14, %mul3A_25 : vector<16xf32>
    %get3A_27 = arith.constant 2 : i32
    %get3A_28 = arith.index_cast %get3A_27 : i32 to index
    %get3A_29 = arith.constant 0 : index
    %get3A_30 = tpu.vector_load %arg5[%get3A_28, %get3A_29] {strides = array<i32>} : memref<21x16xf32, #tpu.memory_space<vmem>>, vector<1x16xf32>,
    %get3A_31 = vector.shape_cast %get3A_30 : vector<1x16xf32> to vector<16xf32>
    %get3A_32 = arith.constant 12 : i32
    %get3A_33 = arith.index_cast %get3A_32 : i32 to index
    %get3A_34 = arith.constant 0 : index
    %get3A_35 = tpu.vector_load %arg5[%get3A_33, %get3A_34] {strides = array<i32>} : memref<21x16xf32, #tpu.memory_space<vmem>>, vector<1x16xf32>,
    %get3A_36 = vector.shape_cast %get3A_35 : vector<1x16xf32> to vector<16xf32>
    %mul3A_37 = arith.mulf %get3A_31, %get3A_36 : vector<16xf32>
    %add3A_38 = arith.addf %add3A_26, %mul3A_37 : vector<16xf32>
    %get3A_39 = arith.constant 3 : i32
    %get3A_40 = arith.index_cast %get3A_39 : i32 to index
    %get3A_41 = arith.constant 0 : index
    %get3A_42 = tpu.vector_load %arg5[%get3A_40, %get3A_41] {strides = array<i32>} : memref<21x16xf32, #tpu.memory_space<vmem>>, vector<1x16xf32>,
    %get3A_43 = vector.shape_cast %get3A_42 : vector<1x16xf32> to vector<16xf32>
    %get3A_44 = arith.constant 13 : i32
    %get3A_45 = arith.index_cast %get3A_44 : i32 to index
    %get3A_46 = arith.constant 0 : index
    %get3A_47 = tpu.vector_load %arg5[%get3A_45, %get3A_46] {strides = array<i32>} : memref<21x16xf32, #tpu.memory_space<vmem>>, vector<1x16xf32>,
    %get3A_48 = vector.shape_cast %get3A_47 : vector<1x16xf32> to vector<16xf32>
    %mul3A_49 = arith.mulf %get3A_43, %get3A_48 : vector<16xf32>
    %add3A_50 = arith.addf %add3A_38, %mul3A_49 : vector<16xf32>
    %get3A_51 = arith.constant 4 : i32
    %get3A_52 = arith.index_cast %get3A_51 : i32 to index
    %get3A_53 = arith.constant 0 : index
    %get3A_54 = tpu.vector_load %arg5[%get3A_52, %get3A_53] {strides = array<i32>} : memref<21x16xf32, #tpu.memory_space<vmem>>, vector<1x16xf32>,
    %get3A_55 = vector.shape_cast %get3A_54 : vector<1x16xf32> to vector<16xf32>
    %get3A_56 = arith.constant 14 : i32
    %get3A_57 = arith.index_cast %get3A_56 : i32 to index
    %get3A_58 = arith.constant 0 : index
    %get3A_59 = tpu.vector_load %arg5[%get3A_57, %get3A_58] {strides = array<i32>} : memref<21x16xf32, #tpu.memory_space<vmem>>, vector<1x16xf32>,
    %get3A_60 = vector.shape_cast %get3A_59 : vector<1x16xf32> to vector<16xf32>
    %mul3A_61 = arith.mulf %get3A_55, %get3A_60 : vector<16xf32>
    %add3A_62 = arith.addf %add3A_50, %mul3A_61 : vector<16xf32>
    %get3A_63 = arith.constant 5 : i32
    %get3A_64 = arith.index_cast %get3A_63 : i32 to index
    %get3A_65 = arith.constant 0 : index
    %get3A_66 = tpu.vector_load %arg5[%get3A_64, %get3A_65] {strides = array<i32>} : memref<21x16xf32, #tpu.memory_space<vmem>>, vector<1x16xf32>,
    %get3A_67 = vector.shape_cast %get3A_66 : vector<1x16xf32> to vector<16xf32>
    %get3A_68 = arith.constant 15 : i32
    %get3A_69 = arith.index_cast %get3A_68 : i32 to index
    %get3A_70 = arith.constant 0 : index
    %get3A_71 = tpu.vector_load %arg5[%get3A_69, %get3A_70] {strides = array<i32>} : memref<21x16xf32, #tpu.memory_space<vmem>>, vector<1x16xf32>,
    %get3A_72 = vector.shape_cast %get3A_71 : vector<1x16xf32> to vector<16xf32>
    %mul3A_73 = arith.mulf %get3A_67, %get3A_72 : vector<16xf32>
    %add3A_74 = arith.addf %add3A_62, %mul3A_73 : vector<16xf32>
    %get3A_75 = arith.constant 6 : i32
    %get3A_76 = arith.index_cast %get3A_75 : i32 to index
    %get3A_77 = arith.constant 0 : index
    %get3A_78 = tpu.vector_load %arg5[%get3A_76, %get3A_77] {strides = array<i32>} : memref<21x16xf32, #tpu.memory_space<vmem>>, vector<1x16xf32>,
    %get3A_79 = vector.shape_cast %get3A_78 : vector<1x16xf32> to vector<16xf32>
    %get3A_80 = arith.constant 16 : i32
    %get3A_81 = arith.index_cast %get3A_80 : i32 to index
    %get3A_82 = arith.constant 0 : index
    %get3A_83 = tpu.vector_load %arg5[%get3A_81, %get3A_82] {strides = array<i32>} : memref<21x16xf32, #tpu.memory_space<vmem>>, vector<1x16xf32>,
    %get3A_84 = vector.shape_cast %get3A_83 : vector<1x16xf32> to vector<16xf32>
    %mul3A_85 = arith.mulf %get3A_79, %get3A_84 : vector<16xf32>
    %add3A_86 = arith.addf %add3A_74, %mul3A_85 : vector<16xf32>
    %get3A_87 = arith.constant 7 : i32
    %get3A_88 = arith.index_cast %get3A_87 : i32 to index
    %get3A_89 = arith.constant 0 : index
    %get3A_90 = tpu.vector_load %arg5[%get3A_88, %get3A_89] {strides = array<i32>} : memref<21x16xf32, #tpu.memory_space<vmem>>, vector<1x16xf32>,
    %get3A_91 = vector.shape_cast %get3A_90 : vector<1x16xf32> to vector<16xf32>
    %get3A_92 = arith.constant 17 : i32
    %get3A_93 = arith.index_cast %get3A_92 : i32 to index
    %get3A_94 = arith.constant 0 : index
    %get3A_95 = tpu.vector_load %arg5[%get3A_93, %get3A_94] {strides = array<i32>} : memref<21x16xf32, #tpu.memory_space<vmem>>, vector<1x16xf32>,
    %get3A_96 = vector.shape_cast %get3A_95 : vector<1x16xf32> to vector<16xf32>
    %mul3A_97 = arith.mulf %get3A_91, %get3A_96 : vector<16xf32>
    %add3A_98 = arith.addf %add3A_86, %mul3A_97 : vector<16xf32>
    %get3A_99 = arith.constant 8 : i32
    %get3A_100 = arith.index_cast %get3A_99 : i32 to index
    %get3A_101 = arith.constant 0 : index
    %get3A_102 = tpu.vector_load %arg5[%get3A_100, %get3A_101] {strides = array<i32>} : memref<21x16xf32, #tpu.memory_space<vmem>>, vector<1x16xf32>,
    %get3A_103 = vector.shape_cast %get3A_102 : vector<1x16xf32> to vector<16xf32>
    %get3A_104 = arith.constant 18 : i32
    %get3A_105 = arith.index_cast %get3A_104 : i32 to index
    %get3A_106 = arith.constant 0 : index
    %get3A_107 = tpu.vector_load %arg5[%get3A_105, %get3A_106] {strides = array<i32>} : memref<21x16xf32, #tpu.memory_space<vmem>>, vector<1x16xf32>,
    %get3A_108 = vector.shape_cast %get3A_107 : vector<1x16xf32> to vector<16xf32>
    %mul3A_109 = arith.mulf %get3A_103, %get3A_108 : vector<16xf32>
    %add3A_110 = arith.addf %add3A_98, %mul3A_109 : vector<16xf32>
    %get3A_111 = arith.constant 9 : i32
    %get3A_112 = arith.index_cast %get3A_111 : i32 to index
    %get3A_113 = arith.constant 0 : index
    %get3A_114 = tpu.vector_load %arg5[%get3A_112, %get3A_113] {strides = array<i32>} : memref<21x16xf32, #tpu.memory_space<vmem>>, vector<1x16xf32>,
    %get3A_115 = vector.shape_cast %get3A_114 : vector<1x16xf32> to vector<16xf32>
    %get3A_116 = arith.constant 19 : i32
    %get3A_117 = arith.index_cast %get3A_116 : i32 to index
    %get3A_118 = arith.constant 0 : index
    %get3A_119 = tpu.vector_load %arg5[%get3A_117, %get3A_118] {strides = array<i32>} : memref<21x16xf32, #tpu.memory_space<vmem>>, vector<1x16xf32>,
    %get3A_120 = vector.shape_cast %get3A_119 : vector<1x16xf32> to vector<16xf32>
    %mul3A_121 = arith.mulf %get3A_115, %get3A_120 : vector<16xf32>
    %add3A_122 = arith.addf %add3A_110, %mul3A_121 : vector<16xf32>
    %get3A_123 = arith.constant 20 : i32
    %get3A_124 = arith.index_cast %get3A_123 : i32 to index
    %get3A_125 = arith.constant 0 : index
    %get3A_126 = tpu.vector_load %arg5[%get3A_124, %get3A_125] {strides = array<i32>} : memref<21x16xf32, #tpu.memory_space<vmem>>, vector<1x16xf32>,
    %get3A_127 = vector.shape_cast %get3A_126 : vector<1x16xf32> to vector<16xf32>
    %add3A_128 = arith.addf %add3A_122, %get3A_127 : vector<16xf32>
    %neg3A = arith.constant 0.000000e+00 : f32
    %neg3A_129 = vector.broadcast %neg3A : f32 to vector<16xf32>
    %neg3A_130 = arith.subf %neg3A_129, %add3A_128 : vector<16xf32>
    %exp3A = math.exp %neg3A_130 : vector<16xf32>
    %add3A_131 = arith.constant 1.000000e+00 : f32
    %add3A_132 = vector.broadcast %add3A_131 : f32 to vector<16xf32>
    %add3A_133 = arith.addf %add3A_132, %exp3A : vector<16xf32>
    %div3A = arith.constant 1.000000e+00 : f32
    %div3A_134 = vector.broadcast %div3A : f32 to vector<16xf32>
    %div3A_135 = arith.divf %div3A_134, %add3A_133 : vector<16xf32>
    %dma_start3A = arith.constant 0 : i32
    %dma_start3A_136 = arith.constant 0 : i32
    %dma_start3A_137 = tpu.memref_slice %arg6[%dma_start3A, %dma_start3A_136] : memref<2x25600xi32, #tpu.memory_space<vmem>> -> memref<1x25600xi32, #tpu.memory_space<vmem>>
    %dma_start3A_138 = tpu.memref_squeeze %dma_start3A_137 : memref<1x25600xi32, #tpu.memory_space<vmem>> -> memref<25600xi32, #tpu.memory_space<vmem>>
    %dma_start3A_139 = tpu.memref_slice %arg2[%mul3A_2] : memref<3276800xi32, #tpu.memory_space<hbm>> -> memref<25600xi32, #tpu.memory_space<hbm>>
    %dma_start3A_140 = arith.constant 0 : i32
    %dma_start3A_141 = tpu.memref_slice %arg6[%dma_start3A, %dma_start3A_140] : memref<2x25600xi32, #tpu.memory_space<vmem>> -> memref<1x25600xi32, #tpu.memory_space<vmem>>
    %dma_start3A_142 = tpu.memref_squeeze %dma_start3A_141 : memref<1x25600xi32, #tpu.memory_space<vmem>> -> memref<25600xi32, #tpu.memory_space<vmem>>
    %dma_start3A_143 = tpu.memref_slice %arg2[%mul3A_2] : memref<3276800xi32, #tpu.memory_space<hbm>> -> memref<25600xi32, #tpu.memory_space<hbm>>
    tpu.enqueue_dma source(%dma_start3A_143 : memref<25600xi32, #tpu.memory_space<hbm>>) target(%dma_start3A_142 : memref<25600xi32, #tpu.memory_space<vmem>>) target_semaphore(%arg8 : memref<!tpu.dma_semaphore, #tpu.memory_space<semaphore_mem>>)
    %add3A_144 = arith.constant 25600 : i32
    %add3A_145 = arith.addi %mul3A_2, %add3A_144 : i32
    %dma_start3A_146 = arith.constant 1 : i32
    %dma_start3A_147 = arith.constant 0 : i32
    %dma_start3A_148 = tpu.memref_slice %arg6[%dma_start3A_146, %dma_start3A_147] : memref<2x25600xi32, #tpu.memory_space<vmem>> -> memref<1x25600xi32, #tpu.memory_space<vmem>>
    %dma_start3A_149 = tpu.memref_squeeze %dma_start3A_148 : memref<1x25600xi32, #tpu.memory_space<vmem>> -> memref<25600xi32, #tpu.memory_space<vmem>>
    %dma_start3A_150 = tpu.memref_slice %arg2[%add3A_145] : memref<3276800xi32, #tpu.memory_space<hbm>> -> memref<25600xi32, #tpu.memory_space<hbm>>
    %dma_start3A_151 = arith.constant 0 : i32
    %dma_start3A_152 = tpu.memref_slice %arg6[%dma_start3A_146, %dma_start3A_151] : memref<2x25600xi32, #tpu.memory_space<vmem>> -> memref<1x25600xi32, #tpu.memory_space<vmem>>
    %dma_start3A_153 = tpu.memref_squeeze %dma_start3A_152 : memref<1x25600xi32, #tpu.memory_space<vmem>> -> memref<25600xi32, #tpu.memory_space<vmem>>
    %dma_start3A_154 = tpu.memref_slice %arg2[%add3A_145] : memref<3276800xi32, #tpu.memory_space<hbm>> -> memref<25600xi32, #tpu.memory_space<hbm>>
    tpu.enqueue_dma source(%dma_start3A_154 : memref<25600xi32, #tpu.memory_space<hbm>>) target(%dma_start3A_153 : memref<25600xi32, #tpu.memory_space<vmem>>) target_semaphore(%arg9 : memref<!tpu.dma_semaphore, #tpu.memory_space<semaphore_mem>>)
    %dma_wait3A = arith.constant 0 : i32
    %dma_wait3A_155 = arith.constant 0 : i32
    %dma_wait3A_156 = tpu.memref_slice %arg6[%dma_wait3A, %dma_wait3A_155] : memref<2x25600xi32, #tpu.memory_space<vmem>> -> memref<1x25600xi32, #tpu.memory_space<vmem>>
    %dma_wait3A_157 = tpu.memref_squeeze %dma_wait3A_156 : memref<1x25600xi32, #tpu.memory_space<vmem>> -> memref<25600xi32, #tpu.memory_space<vmem>>
    %dma_wait3A_158 = tpu.memref_slice %arg2[%mul3A_2] : memref<3276800xi32, #tpu.memory_space<hbm>> -> memref<25600xi32, #tpu.memory_space<hbm>>
    %dma_wait3A_159 = arith.constant 0 : i32
    %dma_wait3A_160 = tpu.memref_slice %arg6[%dma_wait3A, %dma_wait3A_159] : memref<2x25600xi32, #tpu.memory_space<vmem>> -> memref<1x25600xi32, #tpu.memory_space<vmem>>
    %dma_wait3A_161 = tpu.memref_squeeze %dma_wait3A_160 : memref<1x25600xi32, #tpu.memory_space<vmem>> -> memref<25600xi32, #tpu.memory_space<vmem>>
    %dma_wait3A_162 = tpu.memref_slice %arg2[%mul3A_2] : memref<3276800xi32, #tpu.memory_space<hbm>> -> memref<25600xi32, #tpu.memory_space<hbm>>
    tpu.wait_dma2 semaphore(%arg8 : memref<!tpu.dma_semaphore, #tpu.memory_space<semaphore_mem>>) src(%dma_wait3A_162 : memref<25600xi32, #tpu.memory_space<hbm>>) dst(%dma_wait3A_161 : memref<25600xi32, #tpu.memory_space<vmem>>)
    %add3A_163 = arith.constant 0 : i32
    %add3A_164 = arith.addi %mul3A_2, %add3A_163 : i32
    %dma_start3A_165 = arith.constant 0 : i32
    %dma_start3A_166 = arith.constant 0 : i32
    %dma_start3A_167 = tpu.memref_slice %arg7[%dma_start3A_165, %dma_start3A_166] : memref<2x25600xf32, #tpu.memory_space<vmem>> -> memref<1x25600xf32, #tpu.memory_space<vmem>>
    %dma_start3A_168 = tpu.memref_squeeze %dma_start3A_167 : memref<1x25600xf32, #tpu.memory_space<vmem>> -> memref<25600xf32, #tpu.memory_space<vmem>>
    %dma_start3A_169 = tpu.memref_slice %arg4[%add3A_164] : memref<3276800xf32, #tpu.memory_space<hbm>> -> memref<25600xf32, #tpu.memory_space<hbm>>
    %dma_start3A_170 = tpu.memref_slice %arg4[%add3A_164] : memref<3276800xf32, #tpu.memory_space<hbm>> -> memref<25600xf32, #tpu.memory_space<hbm>>
    %dma_start3A_171 = arith.constant 0 : i32
    %dma_start3A_172 = tpu.memref_slice %arg7[%dma_start3A_165, %dma_start3A_171] : memref<2x25600xf32, #tpu.memory_space<vmem>> -> memref<1x25600xf32, #tpu.memory_space<vmem>>
    %dma_start3A_173 = tpu.memref_squeeze %dma_start3A_172 : memref<1x25600xf32, #tpu.memory_space<vmem>> -> memref<25600xf32, #tpu.memory_space<vmem>>
    tpu.enqueue_dma source(%dma_start3A_173 : memref<25600xf32, #tpu.memory_space<vmem>>) target(%dma_start3A_170 : memref<25600xf32, #tpu.memory_space<hbm>>) target_semaphore(%arg10 : memref<!tpu.dma_semaphore, #tpu.memory_space<semaphore_mem>>)
    %add3A_174 = arith.constant 51200 : i32
    %add3A_175 = arith.addi %mul3A_2, %add3A_174 : i32
    %dma_start3A_176 = arith.constant 0 : i32
    %dma_start3A_177 = arith.constant 0 : i32
    %dma_start3A_178 = tpu.memref_slice %arg6[%dma_start3A_176, %dma_start3A_177] : memref<2x25600xi32, #tpu.memory_space<vmem>> -> memref<1x25600xi32, #tpu.memory_space<vmem>>
    %dma_start3A_179 = tpu.memref_squeeze %dma_start3A_178 : memref<1x25600xi32, #tpu.memory_space<vmem>> -> memref<25600xi32, #tpu.memory_space<vmem>>
    %dma_start3A_180 = tpu.memref_slice %arg2[%add3A_175] : memref<3276800xi32, #tpu.memory_space<hbm>> -> memref<25600xi32, #tpu.memory_space<hbm>>
    %dma_start3A_181 = arith.constant 0 : i32
    %dma_start3A_182 = tpu.memref_slice %arg6[%dma_start3A_176, %dma_start3A_181] : memref<2x25600xi32, #tpu.memory_space<vmem>> -> memref<1x25600xi32, #tpu.memory_space<vmem>>
    %dma_start3A_183 = tpu.memref_squeeze %dma_start3A_182 : memref<1x25600xi32, #tpu.memory_space<vmem>> -> memref<25600xi32, #tpu.memory_space<vmem>>
    %dma_start3A_184 = tpu.memref_slice %arg2[%add3A_175] : memref<3276800xi32, #tpu.memory_space<hbm>> -> memref<25600xi32, #tpu.memory_space<hbm>>
    tpu.enqueue_dma source(%dma_start3A_184 : memref<25600xi32, #tpu.memory_space<hbm>>) target(%dma_start3A_183 : memref<25600xi32, #tpu.memory_space<vmem>>) target_semaphore(%arg8 : memref<!tpu.dma_semaphore, #tpu.memory_space<semaphore_mem>>)
    %dma_wait3A_185 = arith.constant 1 : i32
    %dma_wait3A_186 = arith.constant 0 : i32
    %dma_wait3A_187 = tpu.memref_slice %arg6[%dma_wait3A_185, %dma_wait3A_186] : memref<2x25600xi32, #tpu.memory_space<vmem>> -> memref<1x25600xi32, #tpu.memory_space<vmem>>
    %dma_wait3A_188 = tpu.memref_squeeze %dma_wait3A_187 : memref<1x25600xi32, #tpu.memory_space<vmem>> -> memref<25600xi32, #tpu.memory_space<vmem>>
    %dma_wait3A_189 = tpu.memref_slice %arg2[%add3A_145] : memref<3276800xi32, #tpu.memory_space<hbm>> -> memref<25600xi32, #tpu.memory_space<hbm>>
    %dma_wait3A_190 = arith.constant 0 : i32
    %dma_wait3A_191 = tpu.memref_slice %arg6[%dma_wait3A_185, %dma_wait3A_190] : memref<2x25600xi32, #tpu.memory_space<vmem>> -> memref<1x25600xi32, #tpu.memory_space<vmem>>
    %dma_wait3A_192 = tpu.memref_squeeze %dma_wait3A_191 : memref<1x25600xi32, #tpu.memory_space<vmem>> -> memref<25600xi32, #tpu.memory_space<vmem>>
    %dma_wait3A_193 = tpu.memref_slice %arg2[%add3A_145] : memref<3276800xi32, #tpu.memory_space<hbm>> -> memref<25600xi32, #tpu.memory_space<hbm>>
    tpu.wait_dma2 semaphore(%arg9 : memref<!tpu.dma_semaphore, #tpu.memory_space<semaphore_mem>>) src(%dma_wait3A_193 : memref<25600xi32, #tpu.memory_space<hbm>>) dst(%dma_wait3A_192 : memref<25600xi32, #tpu.memory_space<vmem>>)
    %add3A_194 = arith.constant 25600 : i32
    %add3A_195 = arith.addi %mul3A_2, %add3A_194 : i32
    %dma_start3A_196 = arith.constant 1 : i32
    %dma_start3A_197 = arith.constant 0 : i32
    %dma_start3A_198 = tpu.memref_slice %arg7[%dma_start3A_196, %dma_start3A_197] : memref<2x25600xf32, #tpu.memory_space<vmem>> -> memref<1x25600xf32, #tpu.memory_space<vmem>>
    %dma_start3A_199 = tpu.memref_squeeze %dma_start3A_198 : memref<1x25600xf32, #tpu.memory_space<vmem>> -> memref<25600xf32, #tpu.memory_space<vmem>>
    %dma_start3A_200 = tpu.memref_slice %arg4[%add3A_195] : memref<3276800xf32, #tpu.memory_space<hbm>> -> memref<25600xf32, #tpu.memory_space<hbm>>
    %dma_start3A_201 = tpu.memref_slice %arg4[%add3A_195] : memref<3276800xf32, #tpu.memory_space<hbm>> -> memref<25600xf32, #tpu.memory_space<hbm>>
    %dma_start3A_202 = arith.constant 0 : i32
    %dma_start3A_203 = tpu.memref_slice %arg7[%dma_start3A_196, %dma_start3A_202] : memref<2x25600xf32, #tpu.memory_space<vmem>> -> memref<1x25600xf32, #tpu.memory_space<vmem>>
    %dma_start3A_204 = tpu.memref_squeeze %dma_start3A_203 : memref<1x25600xf32, #tpu.memory_space<vmem>> -> memref<25600xf32, #tpu.memory_space<vmem>>
    tpu.enqueue_dma source(%dma_start3A_204 : memref<25600xf32, #tpu.memory_space<vmem>>) target(%dma_start3A_201 : memref<25600xf32, #tpu.memory_space<hbm>>) target_semaphore(%arg11 : memref<!tpu.dma_semaphore, #tpu.memory_space<semaphore_mem>>)
    %add3A_205 = arith.constant 76800 : i32
    %add3A_206 = arith.addi %mul3A_2, %add3A_205 : i32
    %dma_start3A_207 = arith.constant 1 : i32
    %dma_start3A_208 = arith.constant 0 : i32
    %dma_start3A_209 = tpu.memref_slice %arg6[%dma_start3A_207, %dma_start3A_208] : memref<2x25600xi32, #tpu.memory_space<vmem>> -> memref<1x25600xi32, #tpu.memory_space<vmem>>
    %dma_start3A_210 = tpu.memref_squeeze %dma_start3A_209 : memref<1x25600xi32, #tpu.memory_space<vmem>> -> memref<25600xi32, #tpu.memory_space<vmem>>
    %dma_start3A_211 = tpu.memref_slice %arg2[%add3A_206] : memref<3276800xi32, #tpu.memory_space<hbm>> -> memref<25600xi32, #tpu.memory_space<hbm>>
    %dma_start3A_212 = arith.constant 0 : i32
    %dma_start3A_213 = tpu.memref_slice %arg6[%dma_start3A_207, %dma_start3A_212] : memref<2x25600xi32, #tpu.memory_space<vmem>> -> memref<1x25600xi32, #tpu.memory_space<vmem>>
    %dma_start3A_214 = tpu.memref_squeeze %dma_start3A_213 : memref<1x25600xi32, #tpu.memory_space<vmem>> -> memref<25600xi32, #tpu.memory_space<vmem>>
    %dma_start3A_215 = tpu.memref_slice %arg2[%add3A_206] : memref<3276800xi32, #tpu.memory_space<hbm>> -> memref<25600xi32, #tpu.memory_space<hbm>>
    tpu.enqueue_dma source(%dma_start3A_215 : memref<25600xi32, #tpu.memory_space<hbm>>) target(%dma_start3A_214 : memref<25600xi32, #tpu.memory_space<vmem>>) target_semaphore(%arg9 : memref<!tpu.dma_semaphore, #tpu.memory_space<semaphore_mem>>)
    %dma_wait3A_216 = arith.constant 0 : i32
    %dma_wait3A_217 = arith.constant 0 : i32
    %dma_wait3A_218 = tpu.memref_slice %arg6[%dma_wait3A_216, %dma_wait3A_217] : memref<2x25600xi32, #tpu.memory_space<vmem>> -> memref<1x25600xi32, #tpu.memory_space<vmem>>
    %dma_wait3A_219 = tpu.memref_squeeze %dma_wait3A_218 : memref<1x25600xi32, #tpu.memory_space<vmem>> -> memref<25600xi32, #tpu.memory_space<vmem>>
    %dma_wait3A_220 = tpu.memref_slice %arg2[%add3A_175] : memref<3276800xi32, #tpu.memory_space<hbm>> -> memref<25600xi32, #tpu.memory_space<hbm>>
    %dma_wait3A_221 = arith.constant 0 : i32
    %dma_wait3A_222 = tpu.memref_slice %arg6[%dma_wait3A_216, %dma_wait3A_221] : memref<2x25600xi32, #tpu.memory_space<vmem>> -> memref<1x25600xi32, #tpu.memory_space<vmem>>
    %dma_wait3A_223 = tpu.memref_squeeze %dma_wait3A_222 : memref<1x25600xi32, #tpu.memory_space<vmem>> -> memref<25600xi32, #tpu.memory_space<vmem>>
    %dma_wait3A_224 = tpu.memref_slice %arg2[%add3A_175] : memref<3276800xi32, #tpu.memory_space<hbm>> -> memref<25600xi32, #tpu.memory_space<hbm>>
    tpu.wait_dma2 semaphore(%arg8 : memref<!tpu.dma_semaphore, #tpu.memory_space<semaphore_mem>>) src(%dma_wait3A_224 : memref<25600xi32, #tpu.memory_space<hbm>>) dst(%dma_wait3A_223 : memref<25600xi32, #tpu.memory_space<vmem>>)
    %dma_wait3A_225 = arith.constant 0 : i32
    %dma_wait3A_226 = arith.constant 0 : i32
    %dma_wait3A_227 = tpu.memref_slice %arg7[%dma_wait3A_225, %dma_wait3A_226] : memref<2x25600xf32, #tpu.memory_space<vmem>> -> memref<1x25600xf32, #tpu.memory_space<vmem>>
    %dma_wait3A_228 = tpu.memref_squeeze %dma_wait3A_227 : memref<1x25600xf32, #tpu.memory_space<vmem>> -> memref<25600xf32, #tpu.memory_space<vmem>>
    %dma_wait3A_229 = tpu.memref_slice %arg4[%add3A_164] : memref<3276800xf32, #tpu.memory_space<hbm>> -> memref<25600xf32, #tpu.memory_space<hbm>>
    %dma_wait3A_230 = tpu.memref_slice %arg4[%add3A_164] : memref<3276800xf32, #tpu.memory_space<hbm>> -> memref<25600xf32, #tpu.memory_space<hbm>>
    %dma_wait3A_231 = arith.constant 0 : i32
    %dma_wait3A_232 = tpu.memref_slice %arg7[%dma_wait3A_225, %dma_wait3A_231] : memref<2x25600xf32, #tpu.memory_space<vmem>> -> memref<1x25600xf32, #tpu.memory_space<vmem>>
    %dma_wait3A_233 = tpu.memref_squeeze %dma_wait3A_232 : memref<1x25600xf32, #tpu.memory_space<vmem>> -> memref<25600xf32, #tpu.memory_space<vmem>>
    tpu.wait_dma2 semaphore(%arg10 : memref<!tpu.dma_semaphore, #tpu.memory_space<semaphore_mem>>) src(%dma_wait3A_233 : memref<25600xf32, #tpu.memory_space<vmem>>) dst(%dma_wait3A_230 : memref<25600xf32, #tpu.memory_space<hbm>>)
    %add3A_234 = arith.constant 51200 : i32
    %add3A_235 = arith.addi %mul3A_2, %add3A_234 : i32
    %dma_start3A_236 = arith.constant 0 : i32
    %dma_start3A_237 = arith.constant 0 : i32
    %dma_start3A_238 = tpu.memref_slice %arg7[%dma_start3A_236, %dma_start3A_237] : memref<2x25600xf32, #tpu.memory_space<vmem>> -> memref<1x25600xf32, #tpu.memory_space<vmem>>
    %dma_start3A_239 = tpu.memref_squeeze %dma_start3A_238 : memref<1x25600xf32, #tpu.memory_space<vmem>> -> memref<25600xf32, #tpu.memory_space<vmem>>
    %dma_start3A_240 = tpu.memref_slice %arg4[%add3A_235] : memref<3276800xf32, #tpu.memory_space<hbm>> -> memref<25600xf32, #tpu.memory_space<hbm>>
    %dma_start3A_241 = tpu.memref_slice %arg4[%add3A_235] : memref<3276800xf32, #tpu.memory_space<hbm>> -> memref<25600xf32, #tpu.memory_space<hbm>>
    %dma_start3A_242 = arith.constant 0 : i32
    %dma_start3A_243 = tpu.memref_slice %arg7[%dma_start3A_236, %dma_start3A_242] : memref<2x25600xf32, #tpu.memory_space<vmem>> -> memref<1x25600xf32, #tpu.memory_space<vmem>>
    %dma_start3A_244 = tpu.memref_squeeze %dma_start3A_243 : memref<1x25600xf32, #tpu.memory_space<vmem>> -> memref<25600xf32, #tpu.memory_space<vmem>>
    tpu.enqueue_dma source(%dma_start3A_244 : memref<25600xf32, #tpu.memory_space<vmem>>) target(%dma_start3A_241 : memref<25600xf32, #tpu.memory_space<hbm>>) target_semaphore(%arg10 : memref<!tpu.dma_semaphore, #tpu.memory_space<semaphore_mem>>)
    %dma_wait3A_245 = arith.constant 1 : i32
    %dma_wait3A_246 = arith.constant 0 : i32
    %dma_wait3A_247 = tpu.memref_slice %arg6[%dma_wait3A_245, %dma_wait3A_246] : memref<2x25600xi32, #tpu.memory_space<vmem>> -> memref<1x25600xi32, #tpu.memory_space<vmem>>
    %dma_wait3A_248 = tpu.memref_squeeze %dma_wait3A_247 : memref<1x25600xi32, #tpu.memory_space<vmem>> -> memref<25600xi32, #tpu.memory_space<vmem>>
    %dma_wait3A_249 = tpu.memref_slice %arg2[%add3A_206] : memref<3276800xi32, #tpu.memory_space<hbm>> -> memref<25600xi32, #tpu.memory_space<hbm>>
    %dma_wait3A_250 = arith.constant 0 : i32
    %dma_wait3A_251 = tpu.memref_slice %arg6[%dma_wait3A_245, %dma_wait3A_250] : memref<2x25600xi32, #tpu.memory_space<vmem>> -> memref<1x25600xi32, #tpu.memory_space<vmem>>
    %dma_wait3A_252 = tpu.memref_squeeze %dma_wait3A_251 : memref<1x25600xi32, #tpu.memory_space<vmem>> -> memref<25600xi32, #tpu.memory_space<vmem>>
    %dma_wait3A_253 = tpu.memref_slice %arg2[%add3A_206] : memref<3276800xi32, #tpu.memory_space<hbm>> -> memref<25600xi32, #tpu.memory_space<hbm>>
    tpu.wait_dma2 semaphore(%arg9 : memref<!tpu.dma_semaphore, #tpu.memory_space<semaphore_mem>>) src(%dma_wait3A_253 : memref<25600xi32, #tpu.memory_space<hbm>>) dst(%dma_wait3A_252 : memref<25600xi32, #tpu.memory_space<vmem>>)
    %dma_wait3A_254 = arith.constant 1 : i32
    %dma_wait3A_255 = arith.constant 0 : i32
    %dma_wait3A_256 = tpu.memref_slice %arg7[%dma_wait3A_254, %dma_wait3A_255] : memref<2x25600xf32, #tpu.memory_space<vmem>> -> memref<1x25600xf32, #tpu.memory_space<vmem>>
    %dma_wait3A_257 = tpu.memref_squeeze %dma_wait3A_256 : memref<1x25600xf32, #tpu.memory_space<vmem>> -> memref<25600xf32, #tpu.memory_space<vmem>>
    %dma_wait3A_258 = tpu.memref_slice %arg4[%add3A_195] : memref<3276800xf32, #tpu.memory_space<hbm>> -> memref<25600xf32, #tpu.memory_space<hbm>>
    %dma_wait3A_259 = tpu.memref_slice %arg4[%add3A_195] : memref<3276800xf32, #tpu.memory_space<hbm>> -> memref<25600xf32, #tpu.memory_space<hbm>>
    %dma_wait3A_260 = arith.constant 0 : i32
    %dma_wait3A_261 = tpu.memref_slice %arg7[%dma_wait3A_254, %dma_wait3A_260] : memref<2x25600xf32, #tpu.memory_space<vmem>> -> memref<1x25600xf32, #tpu.memory_space<vmem>>
    %dma_wait3A_262 = tpu.memref_squeeze %dma_wait3A_261 : memref<1x25600xf32, #tpu.memory_space<vmem>> -> memref<25600xf32, #tpu.memory_space<vmem>>
    tpu.wait_dma2 semaphore(%arg11 : memref<!tpu.dma_semaphore, #tpu.memory_space<semaphore_mem>>) src(%dma_wait3A_262 : memref<25600xf32, #tpu.memory_space<vmem>>) dst(%dma_wait3A_259 : memref<25600xf32, #tpu.memory_space<hbm>>)
    %add3A_263 = arith.constant 76800 : i32
    %add3A_264 = arith.addi %mul3A_2, %add3A_263 : i32
    %dma_start3A_265 = arith.constant 1 : i32
    %dma_start3A_266 = arith.constant 0 : i32
    %dma_start3A_267 = tpu.memref_slice %arg7[%dma_start3A_265, %dma_start3A_266] : memref<2x25600xf32, #tpu.memory_space<vmem>> -> memref<1x25600xf32, #tpu.memory_space<vmem>>
    %dma_start3A_268 = tpu.memref_squeeze %dma_start3A_267 : memref<1x25600xf32, #tpu.memory_space<vmem>> -> memref<25600xf32, #tpu.memory_space<vmem>>
    %dma_start3A_269 = tpu.memref_slice %arg4[%add3A_264] : memref<3276800xf32, #tpu.memory_space<hbm>> -> memref<25600xf32, #tpu.memory_space<hbm>>
    %dma_start3A_270 = tpu.memref_slice %arg4[%add3A_264] : memref<3276800xf32, #tpu.memory_space<hbm>> -> memref<25600xf32, #tpu.memory_space<hbm>>
    %dma_start3A_271 = arith.constant 0 : i32
    %dma_start3A_272 = tpu.memref_slice %arg7[%dma_start3A_265, %dma_start3A_271] : memref<2x25600xf32, #tpu.memory_space<vmem>> -> memref<1x25600xf32, #tpu.memory_space<vmem>>
    %dma_start3A_273 = tpu.memref_squeeze %dma_start3A_272 : memref<1x25600xf32, #tpu.memory_space<vmem>> -> memref<25600xf32, #tpu.memory_space<vmem>>
    tpu.enqueue_dma source(%dma_start3A_273 : memref<25600xf32, #tpu.memory_space<vmem>>) target(%dma_start3A_270 : memref<25600xf32, #tpu.memory_space<hbm>>) target_semaphore(%arg11 : memref<!tpu.dma_semaphore, #tpu.memory_space<semaphore_mem>>)
    %dma_wait3A_274 = arith.constant 1 : i32
    %dma_wait3A_275 = arith.constant 0 : i32
    %dma_wait3A_276 = tpu.memref_slice %arg7[%dma_wait3A_274, %dma_wait3A_275] : memref<2x25600xf32, #tpu.memory_space<vmem>> -> memref<1x25600xf32, #tpu.memory_space<vmem>>
    %dma_wait3A_277 = tpu.memref_squeeze %dma_wait3A_276 : memref<1x25600xf32, #tpu.memory_space<vmem>> -> memref<25600xf32, #tpu.memory_space<vmem>>
    %dma_wait3A_278 = tpu.memref_slice %arg4[%add3A_264] : memref<3276800xf32, #tpu.memory_space<hbm>> -> memref<25600xf32, #tpu.memory_space<hbm>>
    %dma_wait3A_279 = tpu.memref_slice %arg4[%add3A_264] : memref<3276800xf32, #tpu.memory_space<hbm>> -> memref<25600xf32, #tpu.memory_space<hbm>>
    %dma_wait3A_280 = arith.constant 0 : i32
    %dma_wait3A_281 = tpu.memref_slice %arg7[%dma_wait3A_274, %dma_wait3A_280] : memref<2x25600xf32, #tpu.memory_space<vmem>> -> memref<1x25600xf32, #tpu.memory_space<vmem>>
    %dma_wait3A_282 = tpu.memref_squeeze %dma_wait3A_281 : memref<1x25600xf32, #tpu.memory_space<vmem>> -> memref<25600xf32, #tpu.memory_space<vmem>>
    tpu.wait_dma2 semaphore(%arg11 : memref<!tpu.dma_semaphore, #tpu.memory_space<semaphore_mem>>) src(%dma_wait3A_282 : memref<25600xf32, #tpu.memory_space<vmem>>) dst(%dma_wait3A_279 : memref<25600xf32, #tpu.memory_space<hbm>>)
    %dma_wait3A_283 = arith.constant 0 : i32
    %dma_wait3A_284 = arith.constant 0 : i32
    %dma_wait3A_285 = tpu.memref_slice %arg7[%dma_wait3A_283, %dma_wait3A_284] : memref<2x25600xf32, #tpu.memory_space<vmem>> -> memref<1x25600xf32, #tpu.memory_space<vmem>>
    %dma_wait3A_286 = tpu.memref_squeeze %dma_wait3A_285 : memref<1x25600xf32, #tpu.memory_space<vmem>> -> memref<25600xf32, #tpu.memory_space<vmem>>
    %dma_wait3A_287 = tpu.memref_slice %arg4[%add3A_235] : memref<3276800xf32, #tpu.memory_space<hbm>> -> memref<25600xf32, #tpu.memory_space<hbm>>
    %dma_wait3A_288 = tpu.memref_slice %arg4[%add3A_235] : memref<3276800xf32, #tpu.memory_space<hbm>> -> memref<25600xf32, #tpu.memory_space<hbm>>
    %dma_wait3A_289 = arith.constant 0 : i32
    %dma_wait3A_290 = tpu.memref_slice %arg7[%dma_wait3A_283, %dma_wait3A_289] : memref<2x25600xf32, #tpu.memory_space<vmem>> -> memref<1x25600xf32, #tpu.memory_space<vmem>>
    %dma_wait3A_291 = tpu.memref_squeeze %dma_wait3A_290 : memref<1x25600xf32, #tpu.memory_space<vmem>> -> memref<25600xf32, #tpu.memory_space<vmem>>
    tpu.wait_dma2 semaphore(%arg10 : memref<!tpu.dma_semaphore, #tpu.memory_space<semaphore_mem>>) src(%dma_wait3A_291 : memref<25600xf32, #tpu.memory_space<vmem>>) dst(%dma_wait3A_288 : memref<25600xf32, #tpu.memory_space<hbm>>)
    return
  }
}

</mosaic_0001>

<sc_bundles>
// kernel: _sc_lookup.3.cloned.1.call-start
scs
__scs_entry_jumppad:
0x0: {  	(pc) =	sbr.rel $0x88, $3  }
0x1: {  	(tag) =	ssettag $0x0;
	lr =	simm.s32 $0x1  }
0x2: {  	[smem:$0x3F9F] =	sst lr;
	_ =	strace $0xD0000000  }
0x3: {  	_ = 	snop  }
0x4: {  	_ = 	snop  }
0x5: {  	_ = 	snop  }
0x6: {  	_ = 	snop  }
0x7: {  	_ = 	snop  }
__scs_overlays_trampoline_lowered:
0x8: {  	[smem:$0x3FAE] =	sst s0  }
0x9: {  	[smem:$0x3FAF] =	sst s1  }
0xa: {  	[smem:$0x3FB0] =	sst s2  }
0xb: {  	[smem:$0x3FB1] =	sst s3  }
0xc: {  	[smem:$0x3FB2] =	sst s4  }
0xd: {  	[smem:$0x3FB3] =	sst s5  }
0xe: {  	[smem:$0x3FB4] =	sst s6  }
0xf: {  	[smem:$0x3FB5] =	sst s7  }
0x10: {  	[smem:$0x3FB6] =	sst s8  }
0x11: {  	[smem:$0x3FB7] =	sst s9;
	s0 =	simm.s32 @!p0 $0x0  }
0x12: {  	s1 =	sld [smem:$0x3F9D];
	s0 =	simm.s32 @p0 $0x1  }
0x13: {  	[smem:$0x3FB8] =	sst s0;
	s0 =	simm.s32 @!p1 $0x0  }
0x14: {  	s2 =	sld [smem:$0x3F9C];
	s0 =	simm.s32 @p1 $0x1  }
0x15: {  	[smem:$0x3FB9] =	sst s0;
	s0 =	simm.s32 @!p2 $0x0  }
0x16: {  	s3 =	sld [smem:$0x3FDB];
	s0 =	simm.s32 @p2 $0x1  }
0x17: {  	s4 =	simm.s32 $0x1BF5;
	[smem:$0x3FBB] =	sst s0  }
0x18: {  	s0 =	sld [smem:$0x3F9E];
	_ =	swait.ge [sflag:s4], $0x0  }
0x19: {  	s7 =	sld [smem:$0x3F9F]  }
0x1a: {  	s8 =	sadd.s32 $0xFFFFE003, lr  }
0x1b: {  	s9 =	sadd.s32 $0xFFFFFEF7, lr;
	s5 =	simm.s32 $0xFFFFFFFF;
	p2 =	slt.u32 s8, $0xFFFFF086  }
0x1c: {  	p1 =	slt.u32 s9, $0xF7A;
	s5 =	simm.s32 @!p2 $0x0  }
0x1d: {  	s5 =	simm.s32 @p1 $0x1;
	p0 =	seq.s32 s7, s2  }
0x1e: {  	s7 =	smul.u32 @!p0 $0xF7A, s2;
	p2 =	seq.s32 @!p0 s5, $0x0  }
0x1f: {  	s9 =	smul.u32 $0xF7A, s1;
	s8 =	simm.s32 @!p0 $0x1BF5;
	p2 =	por !p2, p0  }
0x20: {  	[sflag:s8] =	ssyncset.s32 @!p0 $0xFFFFF086;
	s6 =	sadd.s32 @!p0 s3, s7;
	s7 =	simm.s32 @!p0 $0x108  }
0x21: {  	s3 =	sadd.s32 s3, s9;
	s6 =	sadd.s32 @!p0 $0x88, s6;
	s7 =	simm.s32 @p2 $0x1082  }
0x22: {  	[simem:s7], [sflag:s8] =	dma.local @!p0 [hbm:s6], $0xF7A  }
0x23: {  	s9 =	sor.u32 $0xD0000000, s2;
	s6 =	simm.s32 $0x108;
	_ =	swait.ge @!p0 [sflag:s8], $0x0  }
0x24: {  	s3 =	sadd.s32 $0x88, s3;
	s6 =	simm.s32 @!p1 $0x1082;
	[sflag:s4] =	ssyncset.s32 $0xFFFFF086  }
0x25: {  	[simem:s6], [sflag:s4] =	dma.local [hbm:s3], $0xF7A  }
0x26: {  	[smem:$0x3F9F] =	sst s1;
	(tag) =	ssettag s2;
	_ =	strace s9  }
0x27: {  	s1 =	sld [smem:$0x3FAF]  }
0x28: {  	s2 =	sld [smem:$0x3FB0]  }
0x29: {  	s4 =	sld [smem:$0x3FB2]  }
0x2a: {  	p0 =	seq.s32 s5, $0x0;
	s5 =	sld [smem:$0x3FB3]  }
0x2b: {  	s6 =	sld [smem:$0x3FB4]  }
0x2c: {  	s7 =	sld [smem:$0x3FB5]  }
0x2d: {  	s3 =	simm.s32 $0x108;
	s8 =	sld [smem:$0x3FB6]  }
0x2e: {  	s3 =	simm.s32 @!p0 $0x1082;
	s9 =	sld [smem:$0x3FB7]  }
0x2f: {  	lr =	sadd.s32 s0, s3;
	s0 =	sld [smem:$0x3FAE]  }
0x30: {  	s3 =	sld [smem:$0x3FB1]  }
0x31: {  	[smem:$0x3FBA] =	sst s10  }
0x32: {  	s10 =	sld [smem:$0x3FB8];
	_ =	sdelay $0x3  }
0x33: {  	p0 =	seq.s32 s10, $0x1;
	s10 =	sld [smem:$0x3FBA];
	_ =	sdelay $0x3  }
0x34: {  	[smem:$0x3FBA] =	sst s10  }
0x35: {  	s10 =	sld [smem:$0x3FB9];
	_ =	sdelay $0x3  }
0x36: {  	p1 =	seq.s32 s10, $0x1;
	s10 =	sld [smem:$0x3FBA];
	_ =	sdelay $0x3  }
0x37: {  	[smem:$0x3FBA] =	sst s10  }
0x38: {  	s10 =	sld [smem:$0x3FBB]  }
0x39: {  	_ = 	snop;
	(pc) =	sbr.ind lr, $3  }
0x3a: {  	_ = 	snop  }
0x3b: {  	_ = 	snop  }
0x3c: {  	p2 =	seq.s32 s10, $0x1;
	s10 =	sld [smem:$0x3FBA]  }
0x3d: {  	_ =	shalt  }
0x3e: {  	_ =	shalt  }
0x3f: {  	_ =	shalt  }
0x40: {  	_ =	shalt  }
0x41: {  	_ =	shalt  }
0x42: {  	_ =	shalt  }
0x43: {  	_ =	shalt  }
0x44: {  	_ =	shalt  }
0x45: {  	_ =	shalt  }
0x46: {  	_ =	shalt  }
0x47: {  	_ =	shalt  }
0x48: {  	_ =	shalt  }
0x49: {  	_ =	shalt  }
0x4a: {  	_ =	shalt  }
0x4b: {  	_ =	shalt  }
0x4c: {  	_ =	shalt  }
0x4d: {  	_ =	shalt  }
0x4e: {  	_ =	shalt  }
0x4f: {  	_ =	shalt  }
0x50: {  	_ =	shalt  }
0x51: {  	_ =	shalt  }
0x52: {  	_ =	shalt  }
0x53: {  	_ =	shalt  }
0x54: {  	_ =	shalt  }
0x55: {  	_ =	shalt  }
0x56: {  	_ =	shalt  }
0x57: {  	_ =	shalt  }
0x58: {  	_ =	shalt  }
0x59: {  	_ =	shalt  }
0x5a: {  	_ =	shalt  }
0x5b: {  	_ =	shalt  }
0x5c: {  	_ =	shalt  }
0x5d: {  	_ =	shalt  }
0x5e: {  	_ =	shalt  }
0x5f: {  	_ =	shalt  }
0x60: {  	_ =	shalt  }
0x61: {  	_ =	shalt  }
0x62: {  	_ =	shalt  }
0x63: {  	_ =	shalt  }
0x64: {  	_ =	shalt  }
0x65: {  	_ =	shalt  }
0x66: {  	_ =	shalt  }
0x67: {  	_ =	shalt  }
0x68: {  	_ =	shalt  }
0x69: {  	_ =	shalt  }
0x6a: {  	_ =	shalt  }
0x6b: {  	_ =	shalt  }
0x6c: {  	_ =	shalt  }
0x6d: {  	_ =	shalt  }
0x6e: {  	_ =	shalt  }
0x6f: {  	_ =	shalt  }
0x70: {  	_ =	shalt  }
0x71: {  	_ =	shalt  }
0x72: {  	_ =	shalt  }
0x73: {  	_ =	shalt  }
0x74: {  	_ =	shalt  }
0x75: {  	_ =	shalt  }
0x76: {  	_ =	shalt  }
0x77: {  	_ =	shalt  }
0x78: {  	_ =	shalt  }
0x79: {  	_ =	shalt  }
0x7a: {  	_ =	shalt  }
0x7b: {  	_ =	shalt  }
0x7c: {  	_ =	shalt  }
0x7d: {  	_ =	shalt  }
0x7e: {  	_ =	shalt  }
0x7f: {  	_ =	shalt  }
0x80: {  	_ =	shalt  }
0x81: {  	_ =	shalt  }
0x82: {  	_ =	shalt  }
0x83: {  	_ =	shalt  }
0x84: {  	_ =	shalt  }
0x85: {  	_ =	shalt  }
0x86: {  	_ =	shalt  }
0x87: {  	_ =	shalt  }
.Lfunc_end0:
.L_simem_size_0:
called_computation_lowered:
.L_overlay_start_0:
0x88: {  	s2 =	sld [smem:$0x3FD9]  }
0x89: {  	s3 =	sld [smem:$0x3FFE];
	_ =	sdelay $0x1  }
0x8a: {  	s1 =	srdreg.scid  }
0x8b: {  	s0 =	sand.u32 $0x1, s1  }
0x8c: {  	s17 =	sshll.u32 s0, $0xA;
	s2 =	sadd.s32 s3, s2  }
0x8d: {  	s2 =	sadd.s32 s2, s17  }
0x8e: {  	[smem:$0x3FC6] =	sst s2  }
0x8f: {  	_ = 	snop  }
0x90: {  	s2 =	sld [smem:$0x3FC9]  }
0x91: {  	s18 =	sld [smem:$0x3FD0];
	(tm) =	ssettm $0x1  }
0x92: {  	s4 =	sld [smem:$0x3FFB];
	_ =	sdelay $0x3  }
0x93: {  	_ =	strace s4  }
0x94: {  	s4 =	sld [smem:$0x3FFC];
	_ =	sdelay $0x3  }
0x95: {  	_ =	strace s4  }
0x96: {  	s4 =	sld [smem:$0x3FFD];
	_ =	sdelay $0x3  }
0x97: {  	_ =	strace s4  }
0x98: {  	_ =	strace $0x8FFFFFFF  }
0x99: {  	s19 =	sld [smem:$0x3FDB];
	_ =	sdelay $0x1  }
0x9a: {  	s5 =	simm.s32 $_scs_section_size  }
0x9b: {  	s6 =	simm.s32 $_size__tile_overlayer_lowered;
	s7 =	simm.s32 $_tile_overlayer_lowered  }
0x9c: {  	s22 =	simm.s32 $0x1BFF;
	s21 =	sshll.u32 s7, $0x1;
	s4 =	sadd.s32 s5, s19  }
0x9d: {  	s8 =	simm.s32 $0x0;
	s20 =	sshll.u32 s6, $0x1;
	s6 =	sadd.s32 s21, s4  }
0x9e: {  	[timem:s8], [sflag:s22] =	dma.local [hbm:s6], s20  }
0x9f: {  	_ =	swait.ge [sflag:s22], s20  }
0xa0: {  	s5 =	ssub.s32 $0x0, s20;
	[sflag:s22] =	ssyncset.done $0x0  }
0xa1: {  	[sflag:s22] =	ssyncadd.s32 s5;
	_ =	sdelay $0x1  }
0xa2: {  	s23 =	simm.s32 $0x1B8B  }
0xa3: {  	_ =	swait.ge [sflag:s23], $0x1  }
0xa4: {  	[sflag:s23] =	ssyncset.done $0x0  }
0xa5: {  	s25 =	simm.s32 $0x1B8E;
	s24 =	sld [smem:$0x3FFE];
	[sflag:s23] =	ssyncadd.s32 $0xFFFFFFFF  }
0xa6: {  	s26 =	simm.s32 $execute0_lowered;
	[smem:$0x3FD2] =	sst s25  }
0xa7: {  	s6 =	sshll.u32 s26, $0x1;
	_ =	strace $0x80000046;
	[dreg:$0x1] =	wrdreg $0xFFFFFFFF  }
0xa8: {  	s28 =	simm.s32 $_size_execute0_lowered;
	s4 =	sadd.s32 s4, s6;
	[dreg:$0x0] =	wrdreg $0x0  }
0xa9: {  	s6 =	sshll.u32 s28, $0x1;
	[dreg:$0x2] =	wrdreg s4  }
0xaa: {  	[dreg:$0x3] =	wrdreg s6  }
0xab: {  	[dreg:$0x4] =	wrdreg $0xC0  }
0xac: {  	_ =	task [dreg:s8], $0x5FFFF  }
0xad: {  	[dreg:$0x1] =	wrdreg $0xFFFFFFFF  }
0xae: {  	[dreg:$0x0] =	wrdreg $0x60  }
0xaf: {  	[dreg:$0x2] =	wrdreg s2  }
0xb0: {  	[dreg:$0x3] =	wrdreg s24  }
0xb1: {  	[dreg:$0x4] =	wrdreg s18  }
0xb2: {  	[dreg:$0x5] =	wrdreg $0x9  }
0xb3: {  	_ =	task.clear_ibuf [dreg:s8], $0x6FFFF;
	_ =	strace $0x90000046  }
0xb4: {  	s29 =	simm.s32 $0x9;
	_ =	strace $0x80000048  }
0xb5: {  	_ =	swait.ge [sflag:s29], $0x1  }
0xb6: {  	[sflag:s29] =	ssyncadd.s32 $0xFFFFFFFF  }
0xb7: {  	_ =	strace $0x90000048  }
0xb8: {  	_ =	sfence  }
0xb9: {  	s30 =	sld [smem:$0x0];
	_ =	sdelay $0x2  }
0xba: {  	s31 =	sshll.u32 s1, $0xD;
	s1 =	sshrl.u32 s1, $0x2  }
0xbb: {  	s3 =	sand.u32 $0x4000, s31;
	s1 =	sadd.s32 s1, s30  }
0xbc: {  	s0 =	sor.u32 s3, s0;
	s1 =	sshll.u32 s1, $0x11  }
0xbd: {  	s0 =	sor.u32 s1, s0  }
0xbe: {  	s0 =	sadd.s32 $0x8F2B, s0  }
0xbf: {  	[sflag:s0] =	ssyncadd.remote.s32 $0x1  }
0xc0: {  	_ =	sfence.sel $0xFFFF  }
0xc1: {  	[dreg:$0x0] =	wrdreg $0xFFFFFFFF;
	(pc) =	sbr.abs _section_cstart, $3  }
0xc2: {  	[dreg:$0x1] =	wrdreg $0xFFFFFFFF  }
0xc3: {  	_ =	task.clear_ibuf [dreg:s8], $0x2FFFF;
	_ =	strace $0x9FFFFFFF  }
0xc4: {  	(tm) =	ssettm $0x7FFFFFFF  }
0xc5: {  	_ =	shalt  }
tec
execute0_lowered:
.L_overlay_start_1:
0x0: {  	(tag) =	ssettag $0x1  }
0x1: {  	s9 =	rddreg [dreg:$0x0]  }
0x2: {  	s1 =	srdreg.scid;
	s3 =	rddreg [dreg:$0x1]  }
0x3: {  	s0 =	stileid.u32;
	s11 =	rddreg [dreg:$0x2];
	s2 =	simm.s32 $0x0  }
0x4: {  	s14 =	simm.s32 $0x1;
	s15 =	simm.s32 $0x2;
	s16 =	simm.s32 $0x3  }
0x5: {  	s17 =	simm.s32 $0x4;
	s4 =	sand.u32 $0x1, s1;
	s30 =	sshll.u32 s0, $0x1  }
0x6: {  	s18 =	simm.s32 $0x0;
	s5 =	sor.u32 s4, s30;
	s4 =	ssub.s32 $0x2, s4  }
0x7: {  	s1 =	rddreg [dreg:$0x3];
	s5 =	smul.u32 $0x19000, s5;
	s31 =	sshrl.u32 s4, $0x1  }
0x8: {  	[smem:$0x7FF] =	sst s2;
	s3 =	sadd.s32 $0x400, s3;
	s12 =	ssub.s32 s4, s31  }
0x9: {  	_ =	strace $0x80000047;
	s7 =	sshrl.u32 s5, $0x3;
	s12 =	smax.u32 s12, $0x1  }
0xa: {  	s8 =	sadd.s32 $0xC80, s7;
	s4 =	sadd.s32 s9, s7;
	s6 =	sadd.s32 s11, s7  }
0xb: {  	s10 =	sadd.s32 $0x1900, s7;
	s13 =	sadd.s32 $0x2580, s7;
	s5 =	sadd.s32 s9, s8  }
0xc: {  	s7 =	sadd.s32 s9, s10;
	s8 =	sadd.s32 s11, s8;
	s9 =	sadd.s32 s9, s13  }
0xd: {  	s10 =	sadd.s32 s11, s10;
	s11 =	sadd.s32 s11, s13;
	s13 =	simm.s32 $0x5  }
.LBB2_1:
0xe: {  	[tilespmem:s2], [sflag:$0x5] =	stream.linear.gather [hbm4b:s3+s2], $0xA80, $0x38;
	[tilespmem:$0x19C00] =	vst v63  }
0xf: {  	_ =	swait.ge [sflag:s13], $0xA80  }
0x10: {  	s19 =	simm.s32 $0xC00;
	s20 =	simm.s32 $0x10;
	[sflag:s13] =	ssyncset.done $0x0  }
0x11: {  	s22 =	sadd.s32 $0x0, s4;
	s21 =	simm.s32 $0xD00;
	[sflag:s13] =	ssyncadd.s32 $0xFFFFF580  }
.LBB2_2:
0x12: {  	[tilespmem:s19], [sflag:$0x1] =	stream.linear.gather [hbm4b:s22+s2], $0x80, $0x38;
	[tilespmem:$0x19C00] =	vst v63  }
0x13: {  	s22 =	smov.u32 s20;
	s19 =	smov.u32 s21;
	p0 =	sne.s32 s20, $0xC70  }
.Ltmp0:
0x14: {  	s20 =	sadd.s32 $0x10, s20;
	(pc) =	sbr.rel @p0 .LBB2_2-.Ltmp0, $2  }
0x15: {  	_ =	sdelay $0x2  }
0x16: {  	s21 =	sadd.s32 $0x100, s21;
	s22 =	sadd.s32 s22, s4  }
0x17: {  	[tilespmem:s19], [sflag:$0x1] =	stream.linear.gather [hbm4b:s22+s2], $0x80, $0x38;
	[tilespmem:$0x19C00] =	vst v63  }
0x18: {  	s19 =	simm.s32 $0xC80  }
0x19: {  	s20 =	simm.s32 $0x10;
	s22 =	sadd.s32 $0x0, s5;
	s21 =	simm.s32 $0xD80  }
.LBB2_4:
0x1a: {  	[tilespmem:s19], [sflag:$0x2] =	stream.linear.gather [hbm4b:s22+s2], $0x80, $0x38;
	[tilespmem:$0x19C00] =	vst v63  }
0x1b: {  	s22 =	smov.u32 s20;
	s19 =	smov.u32 s21;
	p0 =	sne.s32 s20, $0xC70  }
.Ltmp1:
0x1c: {  	s20 =	sadd.s32 $0x10, s20;
	(pc) =	sbr.rel @p0 .LBB2_4-.Ltmp1, $2  }
0x1d: {  	_ =	sdelay $0x2  }
0x1e: {  	s21 =	sadd.s32 $0x100, s21;
	s22 =	sadd.s32 s22, s5  }
0x1f: {  	[tilespmem:s19], [sflag:$0x2] =	stream.linear.gather [hbm4b:s22+s2], $0x80, $0x38;
	[tilespmem:$0x19C00] =	vst v63  }
0x20: {  	_ =	swait.ge [sflag:s14], $0x6400  }
0x21: {  	s19 =	simm.s32 $0xD400;
	s20 =	simm.s32 $0x10;
	[sflag:s14] =	ssyncset.done $0x0  }
0x22: {  	s22 =	sadd.s32 $0x0, s6;
	s21 =	simm.s32 $0xD500;
	[sflag:s14] =	ssyncadd.s32 $0xFFFF9C00  }
.LBB2_6:
0x23: {  	[hbm4b:s22+s2] =	stream.linear.scatter [tilespmem:s19], [sflag:$0x3], $0x80, $0x38;
	[tilespmem:$0x19C00] =	vst v63  }
0x24: {  	s22 =	smov.u32 s20;
	s19 =	smov.u32 s21;
	p0 =	sne.s32 s20, $0xC70  }
.Ltmp2:
0x25: {  	s20 =	sadd.s32 $0x10, s20;
	(pc) =	sbr.rel @p0 .LBB2_6-.Ltmp2, $2  }
0x26: {  	_ =	sdelay $0x2  }
0x27: {  	s21 =	sadd.s32 $0x100, s21;
	s22 =	sadd.s32 s22, s6  }
0x28: {  	[hbm4b:s22+s2] =	stream.linear.scatter [tilespmem:s19], [sflag:$0x3], $0x80, $0x38;
	[tilespmem:$0x19C00] =	vst v63  }
0x29: {  	s19 =	simm.s32 $0xC00  }
0x2a: {  	s20 =	simm.s32 $0x10;
	s22 =	sadd.s32 $0x0, s7;
	s21 =	simm.s32 $0xD00  }
.LBB2_8:
0x2b: {  	[tilespmem:s19], [sflag:$0x1] =	stream.linear.gather [hbm4b:s22+s2], $0x80, $0x38;
	[tilespmem:$0x19C00] =	vst v63  }
0x2c: {  	s22 =	smov.u32 s20;
	s19 =	smov.u32 s21;
	p0 =	sne.s32 s20, $0xC70  }
.Ltmp3:
0x2d: {  	s20 =	sadd.s32 $0x10, s20;
	(pc) =	sbr.rel @p0 .LBB2_8-.Ltmp3, $2  }
0x2e: {  	_ =	sdelay $0x2  }
0x2f: {  	s21 =	sadd.s32 $0x100, s21;
	s22 =	sadd.s32 s22, s7  }
0x30: {  	[tilespmem:s19], [sflag:$0x1] =	stream.linear.gather [hbm4b:s22+s2], $0x80, $0x38;
	[tilespmem:$0x19C00] =	vst v63  }
0x31: {  	_ =	swait.ge [sflag:s15], $0x6400  }
0x32: {  	s19 =	simm.s32 $0xD480;
	s20 =	simm.s32 $0x10;
	[sflag:s15] =	ssyncset.done $0x0  }
0x33: {  	s22 =	sadd.s32 $0x0, s8;
	s21 =	simm.s32 $0xD580;
	[sflag:s15] =	ssyncadd.s32 $0xFFFF9C00  }
.LBB2_10:
0x34: {  	[hbm4b:s22+s2] =	stream.linear.scatter [tilespmem:s19], [sflag:$0x4], $0x80, $0x38;
	[tilespmem:$0x19C00] =	vst v63  }
0x35: {  	s22 =	smov.u32 s20;
	s19 =	smov.u32 s21;
	p0 =	sne.s32 s20, $0xC70  }
.Ltmp4:
0x36: {  	s20 =	sadd.s32 $0x10, s20;
	(pc) =	sbr.rel @p0 .LBB2_10-.Ltmp4, $2  }
0x37: {  	_ =	sdelay $0x2  }
0x38: {  	s21 =	sadd.s32 $0x100, s21;
	s22 =	sadd.s32 s22, s8  }
0x39: {  	[hbm4b:s22+s2] =	stream.linear.scatter [tilespmem:s19], [sflag:$0x4], $0x80, $0x38;
	[tilespmem:$0x19C00] =	vst v63  }
0x3a: {  	s19 =	simm.s32 $0xC80  }
0x3b: {  	s20 =	simm.s32 $0x10;
	s22 =	sadd.s32 $0x0, s9;
	s21 =	simm.s32 $0xD80  }
.LBB2_12:
0x3c: {  	[tilespmem:s19], [sflag:$0x2] =	stream.linear.gather [hbm4b:s22+s2], $0x80, $0x38;
	[tilespmem:$0x19C00] =	vst v63  }
0x3d: {  	s22 =	smov.u32 s20;
	s19 =	smov.u32 s21;
	p0 =	sne.s32 s20, $0xC70  }
.Ltmp5:
0x3e: {  	s20 =	sadd.s32 $0x10, s20;
	(pc) =	sbr.rel @p0 .LBB2_12-.Ltmp5, $2  }
0x3f: {  	_ =	sdelay $0x2  }
0x40: {  	s21 =	sadd.s32 $0x100, s21;
	s22 =	sadd.s32 s22, s9  }
0x41: {  	[tilespmem:s19], [sflag:$0x2] =	stream.linear.gather [hbm4b:s22+s2], $0x80, $0x38;
	[tilespmem:$0x19C00] =	vst v63  }
0x42: {  	_ =	swait.ge [sflag:s14], $0x6400  }
0x43: {  	[sflag:s14] =	ssyncset.done $0x0  }
0x44: {  	[sflag:s14] =	ssyncadd.s32 $0xFFFF9C00  }
0x45: {  	_ =	swait.ge [sflag:s16], $0x6400  }
0x46: {  	s19 =	simm.s32 $0xD400;
	s20 =	simm.s32 $0x10;
	[sflag:s16] =	ssyncset.done $0x0  }
0x47: {  	s22 =	sadd.s32 $0x0, s10;
	s21 =	simm.s32 $0xD500;
	[sflag:s16] =	ssyncadd.s32 $0xFFFF9C00  }
.LBB2_14:
0x48: {  	[hbm4b:s22+s2] =	stream.linear.scatter [tilespmem:s19], [sflag:$0x3], $0x80, $0x38;
	[tilespmem:$0x19C00] =	vst v63  }
0x49: {  	s22 =	smov.u32 s20;
	s19 =	smov.u32 s21;
	p0 =	sne.s32 s20, $0xC70  }
.Ltmp6:
0x4a: {  	s20 =	sadd.s32 $0x10, s20;
	(pc) =	sbr.rel @p0 .LBB2_14-.Ltmp6, $2  }
0x4b: {  	_ =	sdelay $0x2  }
0x4c: {  	s21 =	sadd.s32 $0x100, s21;
	s22 =	sadd.s32 s22, s10  }
0x4d: {  	[hbm4b:s22+s2] =	stream.linear.scatter [tilespmem:s19], [sflag:$0x3], $0x80, $0x38;
	[tilespmem:$0x19C00] =	vst v63  }
0x4e: {  	_ =	swait.ge [sflag:s15], $0x6400  }
0x4f: {  	[sflag:s15] =	ssyncset.done $0x0  }
0x50: {  	[sflag:s15] =	ssyncadd.s32 $0xFFFF9C00  }
0x51: {  	_ =	swait.ge [sflag:s17], $0x6400  }
0x52: {  	s19 =	simm.s32 $0xD480;
	s20 =	simm.s32 $0x10;
	[sflag:s17] =	ssyncset.done $0x0  }
0x53: {  	s22 =	sadd.s32 $0x0, s11;
	s21 =	simm.s32 $0xD580;
	[sflag:s17] =	ssyncadd.s32 $0xFFFF9C00  }
.LBB2_16:
0x54: {  	[hbm4b:s22+s2] =	stream.linear.scatter [tilespmem:s19], [sflag:$0x4], $0x80, $0x38;
	[tilespmem:$0x19C00] =	vst v63  }
0x55: {  	s22 =	smov.u32 s20;
	s19 =	smov.u32 s21;
	p0 =	sne.s32 s20, $0xC70  }
.Ltmp7:
0x56: {  	s20 =	sadd.s32 $0x10, s20;
	(pc) =	sbr.rel @p0 .LBB2_16-.Ltmp7, $2  }
0x57: {  	_ =	sdelay $0x2  }
0x58: {  	s21 =	sadd.s32 $0x100, s21;
	s22 =	sadd.s32 s22, s11  }
0x59: {  	[hbm4b:s22+s2] =	stream.linear.scatter [tilespmem:s19], [sflag:$0x4], $0x80, $0x38;
	[tilespmem:$0x19C00] =	vst v63  }
0x5a: {  	s18 =	sadd.s32 $0x1, s18  }
0x5b: {  	_ =	swait.ge [sflag:s17], $0x6400;
	p0 =	sne.s32 s18, s12  }
.Ltmp8:
0x5c: {  	[sflag:s17] =	ssyncset.done $0x0;
	(pc) =	sbr.rel @p0 .LBB2_1-.Ltmp8, $4  }
0x5d: {  	[sflag:s17] =	ssyncadd.s32 $0xFFFF9C00  }
0x5e: {  	_ =	swait.ge [sflag:s16], $0x6400  }
0x5f: {  	[sflag:s16] =	ssyncset.done $0x0  }
0x60: {  	[sflag:s16] =	ssyncadd.s32 $0xFFFF9C00  }
0x61: {  	_ =	sfence.sel $0x180000  }
0x62: {  	[bflag:$0x0] =	sbarrier.arrive $0xFFFF  }
0x63: {  	p0 =	sne.s32 s0, $0x0;
	_ =	strace $0x90000047  }
0x64: {  	s0 =	sadd.s32 @!p0 $0x100000, s1;
	[bflag:$0x2] =	sbarrier.arrive $0xFFFF  }
0x65: {  	[sflag:s0] =	ssyncadd.tile.s32 @!p0 $0x1;
	_ =	shalt  }
.Lfunc_end2:
_tile_overlayer_lowered:
.L_overlay_start_2:
0x66: {  	(tag) =	ssettag $0x2  }
0x67: {  	s0 =	rddreg [dreg:$0x0];
	s2 =	stileid.u32  }
0x68: {  	s1 =	rddreg [dreg:$0x1];
	p0 =	sne.s32 s2, $0x0  }
0x69: {  	s3 =	rddreg [dreg:$0x2];
	[bflag:$0x3] =	sbarrier.arrive $0xFFFF;
	s2 =	simm.s32 @!p0 $0x1C05  }
0x6a: {  	[timem:s3], [sflag:s2] =	dma.local @!p0 [hbm:s0], s1  }
0x6b: {  	s0 =	simm.s32 @!p0 $0x5  }
0x6c: {  	_ =	swait.ge @!p0 [sflag:s0], s1  }
0x6d: {  	s1 =	ssub.s32 @!p0 $0x0, s1;
	[sflag:s0] =	ssyncset.done @!p0 $0x0  }
0x6e: {  	[sflag:s0] =	ssyncadd.s32 @!p0 s1  }
0x6f: {  	[bflag:$0x3] =	sbarrier.arrive $0xFFFF  }
0x70: {  	_ =	shalt  }

</sc_bundles>
